<compile_context>
chip_gen: v7x
topology: tpu7x:2x2x1
jax: 0.10.2.dev20260603
libtpu: 0.0.44.dev20260713+nightly
codegen_flags: <defaults>
</compile_context>

<pallas_src>
import functools

import jax
import jax.numpy as jnp
from jax import lax
from jax.experimental import pallas as pl
from jax.experimental.pallas import tpu as pltpu
from jax.experimental.pallas import tpu_sc as plsc

N_SRC = 4000
N_TAR = 10000
BATCH = 500
BS = 1000
TCH = 2048
TPAD = 10240
NCH = TPAD // TCH
B_PAD = 4096


def _nn_body(src_ref, tarT_ref, Tt_ref, out_ref):
    s = jnp.dot(src_ref[...], Tt_ref[...], preferred_element_type=jnp.float32)
    s2 = jnp.sum(s * s, axis=1, keepdims=True)
    sm2 = -2.0 * s
    runv = jnp.full((BS, TCH), jnp.float32(jnp.inf), dtype=jnp.float32)
    runc = jnp.zeros((BS, TCH), dtype=jnp.int32)
    for c in range(NCH):
        tc = tarT_ref[:, c * TCH:(c + 1) * TCH]
        t2 = jnp.sum(tc * tc, axis=0, keepdims=True)
        d2 = (s2 + t2) + jnp.dot(sm2, tc, preferred_element_type=jnp.float32)
        upd = d2 < runv
        runv = jnp.where(upd, d2, runv)
        runc = jnp.where(upd, c, runc)
    m2 = jnp.min(runv, axis=1, keepdims=True)
    z = jnp.sqrt(jnp.maximum(m2, 0.0))
    pb = lax.bitcast_convert_type(z * z, jnp.int32)
    hi = m2
    for k in range(-3, 5):
        yk = lax.bitcast_convert_type(pb + k, jnp.float32)
        hi = jnp.where(jnp.sqrt(yk) == z, yk, hi)
    ii = lax.broadcasted_iota(jnp.int32, (BS, TCH), 1)
    jfull = runc * TCH + ii
    best_i = jnp.min(jnp.where(runv <= hi, jfull, jnp.int32(0x7FFFFFFF)),
                     axis=1, keepdims=True)
    out_ref[0, :, :] = best_i


def _nn_indices(src, tarT_pad, Tt):
    out = pl.pallas_call(
        _nn_body,
        grid=(N_SRC // BS,),
        in_specs=[
            pl.BlockSpec((BS, 4), lambda i: (i, 0)),
            pl.BlockSpec((4, TPAD), lambda i: (0, 0)),
            pl.BlockSpec((4, 4), lambda i: (0, 0)),
        ],
        out_specs=pl.BlockSpec((1, BS, 1), lambda i: (i, 0, 0)),
        out_shape=jax.ShapeDtypeStruct((N_SRC // BS, BS, 1), jnp.int32),
    )(src, tarT_pad, Tt)
    return out.reshape(N_SRC)


def _gather_rows(table, idx_pad):
    nw = 32
    bpw = B_PAD // nw
    dcols = table.shape[1]
    mesh = plsc.VectorSubcoreMesh(core_axis_name="c", subcore_axis_name="s")

    @functools.partial(
        pl.kernel,
        mesh=mesh,
        out_type=jax.ShapeDtypeStruct((B_PAD, dcols), jnp.float32),
        scratch_types=[
            pltpu.VMEM((bpw,), jnp.int32),
            pltpu.VMEM((bpw, dcols), jnp.float32),
            pltpu.SemaphoreType.DMA,
        ],
    )
    def k(table_hbm, idx_hbm, out_hbm, idx_v, rows_v, sem):
        wid = lax.axis_index("s") * 2 + lax.axis_index("c")
        base = wid * bpw
        pltpu.sync_copy(idx_hbm.at[pl.ds(base, bpw)], idx_v)
        pltpu.async_copy(table_hbm.at[idx_v], rows_v, sem).wait()
        pltpu.sync_copy(rows_v, out_hbm.at[pl.ds(base, bpw)])

    return k(table, idx_pad)


def _loss_body(gT_ref, csT_ref, srcT_ref, Tt_ref, kron_ref, out_ref):
    gT = gT_ref[...]
    tcs = jnp.dot(kron_ref[...], csT_ref[...],
                  preferred_element_type=jnp.float32)
    pt = jnp.dot(Tt_ref[...], srcT_ref[...],
                 preferred_element_type=jnp.float32)
    r0 = gT[16:17, :] - pt[0:1, :]
    r1 = gT[17:18, :] - pt[1:2, :]
    r2 = gT[18:19, :] - pt[2:3, :]

    def m(a, b):
        k = 4 * a + b
        return gT[k:k + 1, :] + tcs[k:k + 1, :]

    a_, b_, c_ = m(0, 0), m(0, 1), m(0, 2)
    d_, e_, f_ = m(1, 0), m(1, 1), m(1, 2)
    g_, h_, i_ = m(2, 0), m(2, 1), m(2, 2)
    A = e_ * i_ - f_ * h_
    B = c_ * h_ - b_ * i_
    C = b_ * f_ - c_ * e_
    D = f_ * g_ - d_ * i_
    E = a_ * i_ - c_ * g_
    F = c_ * d_ - a_ * f_
    G = d_ * h_ - e_ * g_
    H = b_ * g_ - a_ * h_
    I = a_ * e_ - b_ * d_
    det = a_ * A + b_ * D + c_ * G
    idet = 1.0 / det
    v0 = (r0 * A + r1 * D + r2 * G) * idet
    v1 = (r0 * B + r1 * E + r2 * H) * idet
    v2 = (r0 * C + r1 * F + r2 * I) * idet
    P = jnp.concatenate([v0, v1, v2, r0, r1, r2], axis=0)
    row = lax.broadcasted_iota(jnp.int32, (N_SRC, N_SRC // BATCH), 0) // BATCH
    col = lax.broadcasted_iota(jnp.int32, (N_SRC, N_SRC // BATCH), 1)
    Bm = (row == col).astype(jnp.float32)
    S = jnp.dot(P, Bm, preferred_element_type=jnp.float32)
    nb = N_SRC // BATCH
    prod = S[0:3, :] * S[3:6, :]
    tot = jnp.sum(jnp.sum(prod, axis=1, keepdims=True), axis=0, keepdims=True)
    out_ref[...] = tot * (1.0 / (float(BATCH) * float(BATCH) * float(nb)))


def _loss(gT, csT, srcT, Tt, kron):
    out = pl.pallas_call(
        _loss_body,
        in_specs=[pl.BlockSpec(gT.shape, lambda: (0, 0)),
                  pl.BlockSpec(csT.shape, lambda: (0, 0)),
                  pl.BlockSpec(srcT.shape, lambda: (0, 0)),
                  pl.BlockSpec((4, 4), lambda: (0, 0)),
                  pl.BlockSpec((16, 16), lambda: (0, 0))],
        out_specs=pl.BlockSpec((1, 1), lambda: (0, 0)),
        out_shape=jax.ShapeDtypeStruct((1, 1), jnp.float32),
    )(gT, csT, srcT, Tt, kron)
    return out[0, 0]


def kernel(transformation, src_points, tar_points, covs_src, covs_tar):
    T = transformation
    Tt = T.T
    kron = jnp.kron(T, T)
    tarT_pad = jnp.concatenate(
        [tar_points.T,
         jnp.full((4, TPAD - N_TAR), 1e6, dtype=jnp.float32)], axis=1)
    indices = _nn_indices(src_points, tarT_pad, Tt)
    idx_pad = jnp.concatenate(
        [indices, jnp.zeros((B_PAD - N_SRC,), dtype=jnp.int32)])
    table = jnp.concatenate(
        [covs_tar.reshape(N_TAR, 16), tar_points,
         jnp.zeros((N_TAR, 108), dtype=jnp.float32)], axis=1)
    gathered = _gather_rows(table, idx_pad)
    gT = gathered[:N_SRC, :32].T
    csT = covs_src.reshape(N_SRC, 16).T
    srcT = src_points.T
    return _loss(gT, csT, srcT, Tt, kron)

# --- scband reference (transcript-rebuilt; emitter-appended) ---
"""Pipeline reference for scband-gicpmodel-35381940584853 (READ-ONLY COPY).

The authoritative reference and input builder live on the scoring server;
editing this copy changes nothing except your own understanding.
"""

import jax, jax.numpy as jnp
import numpy as np

N_SRC = 4000
N_TAR = 10000
BATCH_SIZE = 500


def _make_covs(key, n):
    A = 0.1 * jax.random.normal(key, (n, 4, 4), dtype=jnp.float32)
    return jnp.matmul(A, jnp.swapaxes(A, -1, -2)) + 0.05 * jnp.eye(4, dtype=jnp.float32)


def _cdist(a, b):
    a2 = jnp.sum(a * a, axis=1)[:, None]
    b2 = jnp.sum(b * b, axis=1)[None, :]
    d2 = a2 + b2 - 2.0 * (a @ b.T)
    return jnp.sqrt(jnp.maximum(d2, 0.0))


def setup_inputs(seed: int = 0):
    key = jax.random.key(seed)
    k1, k2, k3, k4, k5 = jax.random.split(key, 5)
    return {
        "transformation": jnp.eye(4, dtype=jnp.float32) + 0.01 * jax.random.normal(k5, (4, 4), dtype=jnp.float32),
        "src_points": jax.random.normal(k1, (N_SRC, 4), dtype=jnp.float32),
        "tar_points": jax.random.normal(k2, (N_TAR, 4), dtype=jnp.float32),
        "covs_src": _make_covs(k3, N_SRC),
        "covs_tar": _make_covs(k4, N_TAR),
    }


def reference(transformation, src_points, tar_points, covs_src, covs_tar):
    T = transformation
    n = src_points.shape[0]
    num_batches = (n + BATCH_SIZE - 1) // BATCH_SIZE
    errors = []
    for i in range(num_batches):
        s = i * BATCH_SIZE
        e = min((i + 1) * BATCH_SIZE, n)
        batch_src = src_points[s:e]
        transformed = batch_src @ T.T
        dists = _cdist(transformed, tar_points)
        indices = jnp.argmin(dists, axis=1)  # nearest-neighbor search
        b = e - s
        covs_s = covs_src[s:s + b]
        covs_t = covs_tar[indices]
        transformed_covs_src = jnp.matmul(jnp.matmul(T, covs_s), T.T)
        combined = covs_t + transformed_covs_src
        inv_combined = jnp.linalg.inv(combined[:, :3, :3])
        src_pts_transformed = src_points[s:s + b] @ T
        residuals = tar_points[indices, :3] - src_pts_transformed[:, :3]
        # faithful to torch broadcasting: (B,1,3)@(B,3,3)=(B,1,3); *(B,3) -> (B,B,3); sum dim=2 -> (B,B)
        mahalanobis = jnp.sum(jnp.matmul(residuals[:, None, :], inv_combined) * residuals, axis=2)
        errors.append(jnp.mean(mahalanobis))
    if errors:
        return jnp.mean(jnp.stack(errors))
    return jnp.asarray(0.0, dtype=jnp.float32)

if __name__ == "__main__":
    import jax
    _d = setup_inputs()
    print(jax.jit(kernel)(*tuple(_d.values())))

</pallas_src>

<mosaic_0001>
#map = affine_map<(d0, d1) -> (0, 0)>
#map1 = affine_map<(d0, d1) -> (0)>
module attributes {stable_mosaic.version = 14 : i64} {
  func.func @k(%arg0: i32, %arg1: i32, %arg2: memref<10000x128xf32, #tpu.memory_space<hbm>>, %arg3: memref<4096xi32, #tpu.memory_space<hbm>>, %arg4: memref<4096x128xf32, #tpu.memory_space<hbm>>, %arg5: memref<128xi32, #tpu.memory_space<vmem>>, %arg6: memref<128x128xf32, #tpu.memory_space<vmem>>, %arg7: memref<!tpu.dma_semaphore, #tpu.memory_space<semaphore_mem>>) attributes {dimension_semantics = [#tpu.dimension_semantics<core_parallel>, #tpu.dimension_semantics<subcore_parallel>], iteration_bounds = array<i64: 2, 16>, scalar_prefetch = 0 : i64, scratch_operands = 3 : i64, tpu.core_type = #tpu.core_type<sc_vector_subcore>, window_params = [{transform_indices = #map}, {transform_indices = #map1}, {transform_indices = #map}]} {
    %mul3A = arith.constant 2 : i32
    %mul3A_0 = arith.muli %arg1, %mul3A : i32
    %add3A = arith.addi %mul3A_0, %arg0 : i32
    %mul3A_1 = arith.constant 128 : i32
    %mul3A_2 = arith.muli %add3A, %mul3A_1 : i32
    "tpu.region"() ({
      %run_scoped3A = tpu.sem_alloc : memref<!tpu.dma_semaphore, #tpu.memory_space<semaphore_mem>>
      %dma_start3A_7 = tpu.memref_slice %arg3[%mul3A_2] : memref<4096xi32, #tpu.memory_space<hbm>> -> memref<128xi32, #tpu.memory_space<hbm>>
      %dma_start3A_8 = tpu.memref_slice %arg3[%mul3A_2] : memref<4096xi32, #tpu.memory_space<hbm>> -> memref<128xi32, #tpu.memory_space<hbm>>
      tpu.enqueue_dma source(%dma_start3A_8 : memref<128xi32, #tpu.memory_space<hbm>>) target(%arg5 : memref<128xi32, #tpu.memory_space<vmem>>) target_semaphore(%run_scoped3A : memref<!tpu.dma_semaphore, #tpu.memory_space<semaphore_mem>>)
      %dma_wait3A_9 = tpu.memref_slice %arg3[%mul3A_2] : memref<4096xi32, #tpu.memory_space<hbm>> -> memref<128xi32, #tpu.memory_space<hbm>>
      %dma_wait3A_10 = tpu.memref_slice %arg3[%mul3A_2] : memref<4096xi32, #tpu.memory_space<hbm>> -> memref<128xi32, #tpu.memory_space<hbm>>
      tpu.wait_dma2 semaphore(%run_scoped3A : memref<!tpu.dma_semaphore, #tpu.memory_space<semaphore_mem>>) src(%dma_wait3A_10 : memref<128xi32, #tpu.memory_space<hbm>>) dst(%arg5 : memref<128xi32, #tpu.memory_space<vmem>>)
      tpu.yield
    }) : () -> ()
    %dma_start3A = arith.constant 0 : i32
    %dma_start3A_3 = arith.constant 0 : i32
    %dma_start3A_4 = tpu.memref_slice %arg2[%dma_start3A, %dma_start3A_3] : memref<10000x128xf32, #tpu.memory_space<hbm>> -> memref<10000x128xf32, #tpu.memory_space<hbm>>
    tpu.enqueue_indirect_dma source(%dma_start3A_4 : memref<10000x128xf32, #tpu.memory_space<hbm>>) target(%arg6 : memref<128x128xf32, #tpu.memory_space<vmem>>) offsets(%arg5 : memref<128xi32, #tpu.memory_space<vmem>>) semaphore(%arg7 : memref<!tpu.dma_semaphore, #tpu.memory_space<semaphore_mem>>)
    %dma_wait3A = arith.constant 0 : i32
    %dma_wait3A_5 = arith.constant 0 : i32
    %dma_wait3A_6 = tpu.memref_slice %arg2[%dma_wait3A, %dma_wait3A_5] : memref<10000x128xf32, #tpu.memory_space<hbm>> -> memref<10000x128xf32, #tpu.memory_space<hbm>>
    tpu.wait_indirect_dma semaphore(%arg7 : memref<!tpu.dma_semaphore, #tpu.memory_space<semaphore_mem>>) src(%dma_wait3A_6 : memref<10000x128xf32, #tpu.memory_space<hbm>>) dst(%arg6 : memref<128x128xf32, #tpu.memory_space<vmem>>)
    "tpu.region"() ({
      %run_scoped3A = tpu.sem_alloc : memref<!tpu.dma_semaphore, #tpu.memory_space<semaphore_mem>>
      %dma_start3A_7 = arith.constant 0 : i32
      %dma_start3A_8 = tpu.memref_slice %arg4[%mul3A_2, %dma_start3A_7] : memref<4096x128xf32, #tpu.memory_space<hbm>> -> memref<128x128xf32, #tpu.memory_space<hbm>>
      %dma_start3A_9 = arith.constant 0 : i32
      %dma_start3A_10 = tpu.memref_slice %arg4[%mul3A_2, %dma_start3A_9] : memref<4096x128xf32, #tpu.memory_space<hbm>> -> memref<128x128xf32, #tpu.memory_space<hbm>>
      tpu.enqueue_dma source(%arg6 : memref<128x128xf32, #tpu.memory_space<vmem>>) target(%dma_start3A_10 : memref<128x128xf32, #tpu.memory_space<hbm>>) target_semaphore(%run_scoped3A : memref<!tpu.dma_semaphore, #tpu.memory_space<semaphore_mem>>)
      %dma_wait3A_11 = arith.constant 0 : i32
      %dma_wait3A_12 = tpu.memref_slice %arg4[%mul3A_2, %dma_wait3A_11] : memref<4096x128xf32, #tpu.memory_space<hbm>> -> memref<128x128xf32, #tpu.memory_space<hbm>>
      %dma_wait3A_13 = arith.constant 0 : i32
      %dma_wait3A_14 = tpu.memref_slice %arg4[%mul3A_2, %dma_wait3A_13] : memref<4096x128xf32, #tpu.memory_space<hbm>> -> memref<128x128xf32, #tpu.memory_space<hbm>>
      tpu.wait_dma2 semaphore(%run_scoped3A : memref<!tpu.dma_semaphore, #tpu.memory_space<semaphore_mem>>) src(%arg6 : memref<128x128xf32, #tpu.memory_space<vmem>>) dst(%dma_wait3A_14 : memref<128x128xf32, #tpu.memory_space<hbm>>)
      tpu.yield
    }) : () -> ()
    return
  }
}

module attributes {stable_mosaic.version = 14 : i64} {
  func.func @_nn_body(%arg0: i32, %arg1: memref<1000x4xf32, #tpu.memory_space<vmem>>, %arg2: memref<4x10240xf32, #tpu.memory_space<vmem>>, %arg3: memref<4x4xf32, #tpu.memory_space<vmem>>, %arg4: memref<1x1000x1xi32, #tpu.memory_space<vmem>>) attributes {dimension_semantics = [#tpu.dimension_semantics<arbitrary>], iteration_bounds = array<i64: 4>, scalar_prefetch = 0 : i64, scratch_operands = 0 : i64, tpu.core_type = #tpu.core_type<tc>, window_params = [{transform_indices = @transform_0, window_bounds = array<i64: 1000, 4>}, {pipeline_mode = #tpu.pipeline_mode<synchronous>, transform_indices = @transform_1, window_bounds = array<i64: 4, 10240>}, {pipeline_mode = #tpu.pipeline_mode<synchronous>, transform_indices = @transform_2, window_bounds = array<i64: 4, 4>}, {transform_indices = @transform_3, window_bounds = array<i64: 1, 1000, 1>}]} {
    %get3A = arith.constant 0 : index
    %get3A_0 = arith.constant 0 : index
    %get3A_1 = vector.load %arg1[%get3A, %get3A_0] : memref<1000x4xf32, #tpu.memory_space<vmem>>, vector<1000x4xf32>
    %get3A_2 = arith.constant 0 : index
    %get3A_3 = arith.constant 0 : index
    %get3A_4 = vector.load %arg3[%get3A_2, %get3A_3] : memref<4x4xf32, #tpu.memory_space<vmem>>, vector<4x4xf32>
    %dot_general3A = arith.constant dense<0.000000e+00> : vector<1000x4xf32>
    %dot_general3A_5 = tpu.matmul %get3A_1, %get3A_4, %dot_general3A {dimension_numbers = #tpu.dot_dimension_numbers<[1], [0], [0], [1], [0, 0, 1, 1], [], []>, transpose_lhs_hint = false} : vector<1000x4xf32>, vector<4x4xf32>, vector<1000x4xf32> -> vector<1000x4xf32>
    %mul3A = arith.mulf %dot_general3A_5, %dot_general3A_5 : vector<1000x4xf32>
    %reduce_sum3A = arith.constant dense<0.000000e+00> : vector<1000xf32>
    %reduce_sum3A_6 = vector.multi_reduction <add>, %mul3A, %reduce_sum3A [1] : vector<1000x4xf32> to vector<1000xf32>
    %broadcast_in_dim3A = vector.shape_cast %reduce_sum3A_6 : vector<1000xf32> to vector<1000x1xf32>
    %mul3A_7 = arith.constant -2.000000e+00 : f32
    %mul3A_8 = vector.broadcast %mul3A_7 : f32 to vector<1000x4xf32>
    %mul3A_9 = arith.mulf %mul3A_8, %dot_general3A_5 : vector<1000x4xf32>
    %broadcast_in_dim3A_10 = arith.constant 0x7F800000 : f32
    %broadcast_in_dim3A_11 = vector.broadcast %broadcast_in_dim3A_10 : f32 to vector<1000x2048xf32>
    %broadcast_in_dim3A_12 = arith.constant 0 : i32
    %broadcast_in_dim3A_13 = vector.broadcast %broadcast_in_dim3A_12 : i32 to vector<1000x2048xi32>
    %get3A_14 = arith.constant 0 : index
    %get3A_15 = arith.constant 0 : index
    %get3A_16 = vector.load %arg2[%get3A_14, %get3A_15] : memref<4x10240xf32, #tpu.memory_space<vmem>>, vector<4x2048xf32>
    %mul3A_17 = arith.mulf %get3A_16, %get3A_16 : vector<4x2048xf32>
    %reduce_sum3A_18 = arith.constant dense<0.000000e+00> : vector<2048xf32>
    %reduce_sum3A_19 = vector.multi_reduction <add>, %mul3A_17, %reduce_sum3A_18 [0] : vector<4x2048xf32> to vector<2048xf32>
    %broadcast_in_dim3A_20 = vector.shape_cast %reduce_sum3A_19 : vector<2048xf32> to vector<1x2048xf32>
    %add3A = vector.broadcast %broadcast_in_dim3A : vector<1000x1xf32> to vector<1000x2048xf32>
    %add3A_21 = vector.broadcast %broadcast_in_dim3A_20 : vector<1x2048xf32> to vector<1000x2048xf32>
    %add3A_22 = arith.addf %add3A, %add3A_21 : vector<1000x2048xf32>
    %dot_general3A_23 = arith.constant dense<0.000000e+00> : vector<1000x2048xf32>
    %dot_general3A_24 = tpu.matmul %mul3A_9, %get3A_16, %dot_general3A_23 {dimension_numbers = #tpu.dot_dimension_numbers<[1], [0], [0], [1], [0, 0, 1, 1], [], []>, transpose_lhs_hint = false} : vector<1000x4xf32>, vector<4x2048xf32>, vector<1000x2048xf32> -> vector<1000x2048xf32>
    %add3A_25 = arith.addf %add3A_22, %dot_general3A_24 : vector<1000x2048xf32>
    %lt3A = arith.cmpf olt, %add3A_25, %broadcast_in_dim3A_11 : vector<1000x2048xf32>
    %select_n3A = arith.select %lt3A, %add3A_25, %broadcast_in_dim3A_11 : vector<1000x2048xi1>, vector<1000x2048xf32>
    %jit3A = arith.constant 0 : i32
    %broadcast_in_dim3A_26 = vector.broadcast %jit3A : i32 to vector<1000x2048xi32>
    %select_n3A_27 = arith.select %lt3A, %broadcast_in_dim3A_26, %broadcast_in_dim3A_13 : vector<1000x2048xi1>, vector<1000x2048xi32>
    %get3A_28 = arith.constant 0 : index
    %get3A_29 = arith.constant 2048 : index
    %get3A_30 = vector.load %arg2[%get3A_28, %get3A_29] : memref<4x10240xf32, #tpu.memory_space<vmem>>, vector<4x2048xf32>
    %mul3A_31 = arith.mulf %get3A_30, %get3A_30 : vector<4x2048xf32>
    %reduce_sum3A_32 = arith.constant dense<0.000000e+00> : vector<2048xf32>
    %reduce_sum3A_33 = vector.multi_reduction <add>, %mul3A_31, %reduce_sum3A_32 [0] : vector<4x2048xf32> to vector<2048xf32>
    %broadcast_in_dim3A_34 = vector.shape_cast %reduce_sum3A_33 : vector<2048xf32> to vector<1x2048xf32>
    %add3A_35 = vector.broadcast %broadcast_in_dim3A : vector<1000x1xf32> to vector<1000x2048xf32>
    %add3A_36 = vector.broadcast %broadcast_in_dim3A_34 : vector<1x2048xf32> to vector<1000x2048xf32>
    %add3A_37 = arith.addf %add3A_35, %add3A_36 : vector<1000x2048xf32>
    %dot_general3A_38 = arith.constant dense<0.000000e+00> : vector<1000x2048xf32>
    %dot_general3A_39 = tpu.matmul %mul3A_9, %get3A_30, %dot_general3A_38 {dimension_numbers = #tpu.dot_dimension_numbers<[1], [0], [0], [1], [0, 0, 1, 1], [], []>, transpose_lhs_hint = false} : vector<1000x4xf32>, vector<4x2048xf32>, vector<1000x2048xf32> -> vector<1000x2048xf32>
    %add3A_40 = arith.addf %add3A_37, %dot_general3A_39 : vector<1000x2048xf32>
    %lt3A_41 = arith.cmpf olt, %add3A_40, %select_n3A : vector<1000x2048xf32>
    %select_n3A_42 = arith.select %lt3A_41, %add3A_40, %select_n3A : vector<1000x2048xi1>, vector<1000x2048xf32>
    %jit3A_43 = arith.constant 1 : i32
    %broadcast_in_dim3A_44 = vector.broadcast %jit3A_43 : i32 to vector<1000x2048xi32>
    %select_n3A_45 = arith.select %lt3A_41, %broadcast_in_dim3A_44, %select_n3A_27 : vector<1000x2048xi1>, vector<1000x2048xi32>
    %get3A_46 = arith.constant 0 : index
    %get3A_47 = arith.constant 4096 : index
    %get3A_48 = vector.load %arg2[%get3A_46, %get3A_47] : memref<4x10240xf32, #tpu.memory_space<vmem>>, vector<4x2048xf32>
    %mul3A_49 = arith.mulf %get3A_48, %get3A_48 : vector<4x2048xf32>
    %reduce_sum3A_50 = arith.constant dense<0.000000e+00> : vector<2048xf32>
    %reduce_sum3A_51 = vector.multi_reduction <add>, %mul3A_49, %reduce_sum3A_50 [0] : vector<4x2048xf32> to vector<2048xf32>
    %broadcast_in_dim3A_52 = vector.shape_cast %reduce_sum3A_51 : vector<2048xf32> to vector<1x2048xf32>
    %add3A_53 = vector.broadcast %broadcast_in_dim3A : vector<1000x1xf32> to vector<1000x2048xf32>
    %add3A_54 = vector.broadcast %broadcast_in_dim3A_52 : vector<1x2048xf32> to vector<1000x2048xf32>
    %add3A_55 = arith.addf %add3A_53, %add3A_54 : vector<1000x2048xf32>
    %dot_general3A_56 = arith.constant dense<0.000000e+00> : vector<1000x2048xf32>
    %dot_general3A_57 = tpu.matmul %mul3A_9, %get3A_48, %dot_general3A_56 {dimension_numbers = #tpu.dot_dimension_numbers<[1], [0], [0], [1], [0, 0, 1, 1], [], []>, transpose_lhs_hint = false} : vector<1000x4xf32>, vector<4x2048xf32>, vector<1000x2048xf32> -> vector<1000x2048xf32>
    %add3A_58 = arith.addf %add3A_55, %dot_general3A_57 : vector<1000x2048xf32>
    %lt3A_59 = arith.cmpf olt, %add3A_58, %select_n3A_42 : vector<1000x2048xf32>
    %select_n3A_60 = arith.select %lt3A_59, %add3A_58, %select_n3A_42 : vector<1000x2048xi1>, vector<1000x2048xf32>
    %jit3A_61 = arith.constant 2 : i32
    %broadcast_in_dim3A_62 = vector.broadcast %jit3A_61 : i32 to vector<1000x2048xi32>
    %select_n3A_63 = arith.select %lt3A_59, %broadcast_in_dim3A_62, %select_n3A_45 : vector<1000x2048xi1>, vector<1000x2048xi32>
    %get3A_64 = arith.constant 0 : index
    %get3A_65 = arith.constant 6144 : index
    %get3A_66 = vector.load %arg2[%get3A_64, %get3A_65] : memref<4x10240xf32, #tpu.memory_space<vmem>>, vector<4x2048xf32>
    %mul3A_67 = arith.mulf %get3A_66, %get3A_66 : vector<4x2048xf32>
    %reduce_sum3A_68 = arith.constant dense<0.000000e+00> : vector<2048xf32>
    %reduce_sum3A_69 = vector.multi_reduction <add>, %mul3A_67, %reduce_sum3A_68 [0] : vector<4x2048xf32> to vector<2048xf32>
    %broadcast_in_dim3A_70 = vector.shape_cast %reduce_sum3A_69 : vector<2048xf32> to vector<1x2048xf32>
    %add3A_71 = vector.broadcast %broadcast_in_dim3A : vector<1000x1xf32> to vector<1000x2048xf32>
    %add3A_72 = vector.broadcast %broadcast_in_dim3A_70 : vector<1x2048xf32> to vector<1000x2048xf32>
    %add3A_73 = arith.addf %add3A_71, %add3A_72 : vector<1000x2048xf32>
    %dot_general3A_74 = arith.constant dense<0.000000e+00> : vector<1000x2048xf32>
    %dot_general3A_75 = tpu.matmul %mul3A_9, %get3A_66, %dot_general3A_74 {dimension_numbers = #tpu.dot_dimension_numbers<[1], [0], [0], [1], [0, 0, 1, 1], [], []>, transpose_lhs_hint = false} : vector<1000x4xf32>, vector<4x2048xf32>, vector<1000x2048xf32> -> vector<1000x2048xf32>
    %add3A_76 = arith.addf %add3A_73, %dot_general3A_75 : vector<1000x2048xf32>
    %lt3A_77 = arith.cmpf olt, %add3A_76, %select_n3A_60 : vector<1000x2048xf32>
    %select_n3A_78 = arith.select %lt3A_77, %add3A_76, %select_n3A_60 : vector<1000x2048xi1>, vector<1000x2048xf32>
    %jit3A_79 = arith.constant 3 : i32
    %broadcast_in_dim3A_80 = vector.broadcast %jit3A_79 : i32 to vector<1000x2048xi32>
    %select_n3A_81 = arith.select %lt3A_77, %broadcast_in_dim3A_80, %select_n3A_63 : vector<1000x2048xi1>, vector<1000x2048xi32>
    %get3A_82 = arith.constant 0 : index
    %get3A_83 = arith.constant 8192 : index
    %get3A_84 = vector.load %arg2[%get3A_82, %get3A_83] : memref<4x10240xf32, #tpu.memory_space<vmem>>, vector<4x2048xf32>
    %mul3A_85 = arith.mulf %get3A_84, %get3A_84 : vector<4x2048xf32>
    %reduce_sum3A_86 = arith.constant dense<0.000000e+00> : vector<2048xf32>
    %reduce_sum3A_87 = vector.multi_reduction <add>, %mul3A_85, %reduce_sum3A_86 [0] : vector<4x2048xf32> to vector<2048xf32>
    %broadcast_in_dim3A_88 = vector.shape_cast %reduce_sum3A_87 : vector<2048xf32> to vector<1x2048xf32>
    %add3A_89 = vector.broadcast %broadcast_in_dim3A : vector<1000x1xf32> to vector<1000x2048xf32>
    %add3A_90 = vector.broadcast %broadcast_in_dim3A_88 : vector<1x2048xf32> to vector<1000x2048xf32>
    %add3A_91 = arith.addf %add3A_89, %add3A_90 : vector<1000x2048xf32>
    %dot_general3A_92 = arith.constant dense<0.000000e+00> : vector<1000x2048xf32>
    %dot_general3A_93 = tpu.matmul %mul3A_9, %get3A_84, %dot_general3A_92 {dimension_numbers = #tpu.dot_dimension_numbers<[1], [0], [0], [1], [0, 0, 1, 1], [], []>, transpose_lhs_hint = false} : vector<1000x4xf32>, vector<4x2048xf32>, vector<1000x2048xf32> -> vector<1000x2048xf32>
    %add3A_94 = arith.addf %add3A_91, %dot_general3A_93 : vector<1000x2048xf32>
    %lt3A_95 = arith.cmpf olt, %add3A_94, %select_n3A_78 : vector<1000x2048xf32>
    %select_n3A_96 = arith.select %lt3A_95, %add3A_94, %select_n3A_78 : vector<1000x2048xi1>, vector<1000x2048xf32>
    %jit3A_97 = arith.constant 4 : i32
    %broadcast_in_dim3A_98 = vector.broadcast %jit3A_97 : i32 to vector<1000x2048xi32>
    %select_n3A_99 = arith.select %lt3A_95, %broadcast_in_dim3A_98, %select_n3A_81 : vector<1000x2048xi1>, vector<1000x2048xi32>
    %reduce_min3A = arith.constant dense<0x7F800000> : vector<1000xf32>
    %reduce_min3A_100 = vector.multi_reduction <minimumf>, %select_n3A_96, %reduce_min3A [1] : vector<1000x2048xf32> to vector<1000xf32>
    %broadcast_in_dim3A_101 = vector.shape_cast %reduce_min3A_100 : vector<1000xf32> to vector<1000x1xf32>
    %max3A = arith.constant 0.000000e+00 : f32
    %max3A_102 = vector.broadcast %max3A : f32 to vector<1000x1xf32>
    %max3A_103 = arith.maximumf %broadcast_in_dim3A_101, %max3A_102 : vector<1000x1xf32>
    %sqrt3A = math.sqrt %max3A_103 : vector<1000x1xf32>
    %mul3A_104 = arith.mulf %sqrt3A, %sqrt3A : vector<1000x1xf32>
    %bitcast_convert_type3A = tpu.bitcast %mul3A_104 : vector<1000x1xf32> -> vector<1000x1xi32>
    %add3A_105 = arith.constant -3 : i32
    %add3A_106 = vector.broadcast %add3A_105 : i32 to vector<1000x1xi32>
    %add3A_107 = arith.addi %bitcast_convert_type3A, %add3A_106 : vector<1000x1xi32>
    %bitcast_convert_type3A_108 = tpu.bitcast %add3A_107 : vector<1000x1xi32> -> vector<1000x1xf32>
    %sqrt3A_109 = math.sqrt %bitcast_convert_type3A_108 : vector<1000x1xf32>
    %eq3A = arith.cmpf oeq, %sqrt3A_109, %sqrt3A : vector<1000x1xf32>
    %select_n3A_110 = arith.select %eq3A, %bitcast_convert_type3A_108, %broadcast_in_dim3A_101 : vector<1000x1xi1>, vector<1000x1xf32>
    %add3A_111 = arith.constant -2 : i32
    %add3A_112 = vector.broadcast %add3A_111 : i32 to vector<1000x1xi32>
    %add3A_113 = arith.addi %bitcast_convert_type3A, %add3A_112 : vector<1000x1xi32>
    %bitcast_convert_type3A_114 = tpu.bitcast %add3A_113 : vector<1000x1xi32> -> vector<1000x1xf32>
    %sqrt3A_115 = math.sqrt %bitcast_convert_type3A_114 : vector<1000x1xf32>
    %eq3A_116 = arith.cmpf oeq, %sqrt3A_115, %sqrt3A : vector<1000x1xf32>
    %select_n3A_117 = arith.select %eq3A_116, %bitcast_convert_type3A_114, %select_n3A_110 : vector<1000x1xi1>, vector<1000x1xf32>
    %add3A_118 = arith.constant -1 : i32
    %add3A_119 = vector.broadcast %add3A_118 : i32 to vector<1000x1xi32>
    %add3A_120 = arith.addi %bitcast_convert_type3A, %add3A_119 : vector<1000x1xi32>
    %bitcast_convert_type3A_121 = tpu.bitcast %add3A_120 : vector<1000x1xi32> -> vector<1000x1xf32>
    %sqrt3A_122 = math.sqrt %bitcast_convert_type3A_121 : vector<1000x1xf32>
    %eq3A_123 = arith.cmpf oeq, %sqrt3A_122, %sqrt3A : vector<1000x1xf32>
    %select_n3A_124 = arith.select %eq3A_123, %bitcast_convert_type3A_121, %select_n3A_117 : vector<1000x1xi1>, vector<1000x1xf32>
    %add3A_125 = arith.constant 0 : i32
    %add3A_126 = vector.broadcast %add3A_125 : i32 to vector<1000x1xi32>
    %add3A_127 = arith.addi %bitcast_convert_type3A, %add3A_126 : vector<1000x1xi32>
    %bitcast_convert_type3A_128 = tpu.bitcast %add3A_127 : vector<1000x1xi32> -> vector<1000x1xf32>
    %sqrt3A_129 = math.sqrt %bitcast_convert_type3A_128 : vector<1000x1xf32>
    %eq3A_130 = arith.cmpf oeq, %sqrt3A_129, %sqrt3A : vector<1000x1xf32>
    %select_n3A_131 = arith.select %eq3A_130, %bitcast_convert_type3A_128, %select_n3A_124 : vector<1000x1xi1>, vector<1000x1xf32>
    %add3A_132 = arith.constant 1 : i32
    %add3A_133 = vector.broadcast %add3A_132 : i32 to vector<1000x1xi32>
    %add3A_134 = arith.addi %bitcast_convert_type3A, %add3A_133 : vector<1000x1xi32>
    %bitcast_convert_type3A_135 = tpu.bitcast %add3A_134 : vector<1000x1xi32> -> vector<1000x1xf32>
    %sqrt3A_136 = math.sqrt %bitcast_convert_type3A_135 : vector<1000x1xf32>
    %eq3A_137 = arith.cmpf oeq, %sqrt3A_136, %sqrt3A : vector<1000x1xf32>
    %select_n3A_138 = arith.select %eq3A_137, %bitcast_convert_type3A_135, %select_n3A_131 : vector<1000x1xi1>, vector<1000x1xf32>
    %add3A_139 = arith.constant 2 : i32
    %add3A_140 = vector.broadcast %add3A_139 : i32 to vector<1000x1xi32>
    %add3A_141 = arith.addi %bitcast_convert_type3A, %add3A_140 : vector<1000x1xi32>
    %bitcast_convert_type3A_142 = tpu.bitcast %add3A_141 : vector<1000x1xi32> -> vector<1000x1xf32>
    %sqrt3A_143 = math.sqrt %bitcast_convert_type3A_142 : vector<1000x1xf32>
    %eq3A_144 = arith.cmpf oeq, %sqrt3A_143, %sqrt3A : vector<1000x1xf32>
    %select_n3A_145 = arith.select %eq3A_144, %bitcast_convert_type3A_142, %select_n3A_138 : vector<1000x1xi1>, vector<1000x1xf32>
    %add3A_146 = arith.constant 3 : i32
    %add3A_147 = vector.broadcast %add3A_146 : i32 to vector<1000x1xi32>
    %add3A_148 = arith.addi %bitcast_convert_type3A, %add3A_147 : vector<1000x1xi32>
    %bitcast_convert_type3A_149 = tpu.bitcast %add3A_148 : vector<1000x1xi32> -> vector<1000x1xf32>
    %sqrt3A_150 = math.sqrt %bitcast_convert_type3A_149 : vector<1000x1xf32>
    %eq3A_151 = arith.cmpf oeq, %sqrt3A_150, %sqrt3A : vector<1000x1xf32>
    %select_n3A_152 = arith.select %eq3A_151, %bitcast_convert_type3A_149, %select_n3A_145 : vector<1000x1xi1>, vector<1000x1xf32>
    %add3A_153 = arith.constant 4 : i32
    %add3A_154 = vector.broadcast %add3A_153 : i32 to vector<1000x1xi32>
    %add3A_155 = arith.addi %bitcast_convert_type3A, %add3A_154 : vector<1000x1xi32>
    %bitcast_convert_type3A_156 = tpu.bitcast %add3A_155 : vector<1000x1xi32> -> vector<1000x1xf32>
    %sqrt3A_157 = math.sqrt %bitcast_convert_type3A_156 : vector<1000x1xf32>
    %eq3A_158 = arith.cmpf oeq, %sqrt3A_157, %sqrt3A : vector<1000x1xf32>
    %select_n3A_159 = arith.select %eq3A_158, %bitcast_convert_type3A_156, %select_n3A_152 : vector<1000x1xi1>, vector<1000x1xf32>
    %iota3A = tpu.iota {dimensions = array<i32: 1>} : vector<1000x2048xi32>
    %mul3A_160 = arith.constant 2048 : i32
    %mul3A_161 = vector.broadcast %mul3A_160 : i32 to vector<1000x2048xi32>
    %mul3A_162 = arith.muli %select_n3A_99, %mul3A_161 : vector<1000x2048xi32>
    %add3A_163 = arith.addi %mul3A_162, %iota3A : vector<1000x2048xi32>
    %le3A = vector.broadcast %select_n3A_159 : vector<1000x1xf32> to vector<1000x2048xf32>
    %le3A_164 = arith.cmpf ole, %select_n3A_96, %le3A : vector<1000x2048xf32>
    %jit3A_165 = arith.constant 2147483647 : i32
    %broadcast_in_dim3A_166 = vector.broadcast %jit3A_165 : i32 to vector<1000x2048xi32>
    %select_n3A_167 = arith.select %le3A_164, %add3A_163, %broadcast_in_dim3A_166 : vector<1000x2048xi1>, vector<1000x2048xi32>
    %reduce_min3A_168 = arith.constant dense<2147483647> : vector<1000xi32>
    %reduce_min3A_169 = vector.multi_reduction <minsi>, %select_n3A_167, %reduce_min3A_168 [1] : vector<1000x2048xi32> to vector<1000xi32>
    %broadcast_in_dim3A_170 = vector.shape_cast %reduce_min3A_169 : vector<1000xi32> to vector<1000x1xi32>
    %swap3A = arith.constant 0 : index
    %swap3A_171 = arith.constant 0 : index
    %swap3A_172 = arith.constant 0 : index
    %swap3A_173 = vector.load %arg4[%swap3A, %swap3A_171, %swap3A_172] : memref<1x1000x1xi32, #tpu.memory_space<vmem>>, vector<1x1000x1xi32>
    %swap3A_174 = vector.shape_cast %swap3A_173 : vector<1x1000x1xi32> to vector<1000x1xi32>
    %swap3A_175 = vector.shape_cast %broadcast_in_dim3A_170 : vector<1000x1xi32> to vector<1x1000x1xi32>
    tpu.vector_store %arg4[%swap3A, %swap3A_171, %swap3A_172], %swap3A_175 {strides = array<i32>} : memref<1x1000x1xi32, #tpu.memory_space<vmem>>, vector<1x1000x1xi32>,
    return
  }
  func.func @transform_0(%arg0: i32) -> (i32, i32) {
    %c0_i32 = arith.constant 0 : i32
    %c0_i32_0 = arith.constant 0 : i32
    return %arg0, %c0_i32 : i32, i32
  }
  func.func @transform_1(%arg0: i32) -> (i32, i32) {
    %c0_i32 = arith.constant 0 : i32
    %c0_i32_0 = arith.constant 0 : i32
    %c0_i32_1 = arith.constant 0 : i32
    return %c0_i32, %c0_i32_0 : i32, i32
  }
  func.func @transform_2(%arg0: i32) -> (i32, i32) {
    %c0_i32 = arith.constant 0 : i32
    %c0_i32_0 = arith.constant 0 : i32
    %c0_i32_1 = arith.constant 0 : i32
    return %c0_i32, %c0_i32_0 : i32, i32
  }
  func.func @transform_3(%arg0: i32) -> (i32, i32, i32) {
    %c0_i32 = arith.constant 0 : i32
    %c0_i32_0 = arith.constant 0 : i32
    %c0_i32_1 = arith.constant 0 : i32
    return %arg0, %c0_i32, %c0_i32_0 : i32, i32, i32
  }
}

module attributes {stable_mosaic.version = 14 : i64} {
  func.func @_loss_body(%arg0: memref<32x4000xf32, #tpu.memory_space<vmem>>, %arg1: memref<16x4000xf32, #tpu.memory_space<vmem>>, %arg2: memref<4x4000xf32, #tpu.memory_space<vmem>>, %arg3: memref<4x4xf32, #tpu.memory_space<vmem>>, %arg4: memref<16x16xf32, #tpu.memory_space<vmem>>, %arg5: memref<1x1xf32, #tpu.memory_space<vmem>>) attributes {dimension_semantics = [], scalar_prefetch = 0 : i64, scratch_operands = 0 : i64, tpu.core_type = #tpu.core_type<tc>} {
    %get3A = arith.constant 0 : index
    %get3A_0 = arith.constant 0 : index
    %get3A_1 = vector.load %arg0[%get3A, %get3A_0] : memref<32x4000xf32, #tpu.memory_space<vmem>>, vector<32x4000xf32>
    %get3A_2 = arith.constant 0 : index
    %get3A_3 = arith.constant 0 : index
    %get3A_4 = vector.load %arg4[%get3A_2, %get3A_3] : memref<16x16xf32, #tpu.memory_space<vmem>>, vector<16x16xf32>
    %get3A_5 = arith.constant 0 : index
    %get3A_6 = arith.constant 0 : index
    %get3A_7 = vector.load %arg1[%get3A_5, %get3A_6] : memref<16x4000xf32, #tpu.memory_space<vmem>>, vector<16x4000xf32>
    %dot_general3A = arith.constant dense<0.000000e+00> : vector<16x4000xf32>
    %dot_general3A_8 = tpu.matmul %get3A_4, %get3A_7, %dot_general3A {dimension_numbers = #tpu.dot_dimension_numbers<[1], [0], [0], [1], [0, 0, 1, 1], [], []>, transpose_lhs_hint = false} : vector<16x16xf32>, vector<16x4000xf32>, vector<16x4000xf32> -> vector<16x4000xf32>
    %get3A_9 = arith.constant 0 : index
    %get3A_10 = arith.constant 0 : index
    %get3A_11 = vector.load %arg3[%get3A_9, %get3A_10] : memref<4x4xf32, #tpu.memory_space<vmem>>, vector<4x4xf32>
    %get3A_12 = arith.constant 0 : index
    %get3A_13 = arith.constant 0 : index
    %get3A_14 = vector.load %arg2[%get3A_12, %get3A_13] : memref<4x4000xf32, #tpu.memory_space<vmem>>, vector<4x4000xf32>
    %dot_general3A_15 = arith.constant dense<0.000000e+00> : vector<4x4000xf32>
    %dot_general3A_16 = tpu.matmul %get3A_11, %get3A_14, %dot_general3A_15 {dimension_numbers = #tpu.dot_dimension_numbers<[1], [0], [0], [1], [0, 0, 1, 1], [], []>, transpose_lhs_hint = false} : vector<4x4xf32>, vector<4x4000xf32>, vector<4x4000xf32> -> vector<4x4000xf32>
    %slice3A = vector.extract_strided_slice %get3A_1 {offsets = [16, 0], sizes = [1, 4000], strides = [1, 1]} : vector<32x4000xf32> to vector<1x4000xf32>
    %slice3A_17 = vector.extract_strided_slice %dot_general3A_16 {offsets = [0, 0], sizes = [1, 4000], strides = [1, 1]} : vector<4x4000xf32> to vector<1x4000xf32>
    %sub3A = arith.subf %slice3A, %slice3A_17 : vector<1x4000xf32>
    %slice3A_18 = vector.extract_strided_slice %get3A_1 {offsets = [17, 0], sizes = [1, 4000], strides = [1, 1]} : vector<32x4000xf32> to vector<1x4000xf32>
    %slice3A_19 = vector.extract_strided_slice %dot_general3A_16 {offsets = [1, 0], sizes = [1, 4000], strides = [1, 1]} : vector<4x4000xf32> to vector<1x4000xf32>
    %sub3A_20 = arith.subf %slice3A_18, %slice3A_19 : vector<1x4000xf32>
    %slice3A_21 = vector.extract_strided_slice %get3A_1 {offsets = [18, 0], sizes = [1, 4000], strides = [1, 1]} : vector<32x4000xf32> to vector<1x4000xf32>
    %slice3A_22 = vector.extract_strided_slice %dot_general3A_16 {offsets = [2, 0], sizes = [1, 4000], strides = [1, 1]} : vector<4x4000xf32> to vector<1x4000xf32>
    %sub3A_23 = arith.subf %slice3A_21, %slice3A_22 : vector<1x4000xf32>
    %slice3A_24 = vector.extract_strided_slice %get3A_1 {offsets = [0, 0], sizes = [1, 4000], strides = [1, 1]} : vector<32x4000xf32> to vector<1x4000xf32>
    %slice3A_25 = vector.extract_strided_slice %dot_general3A_8 {offsets = [0, 0], sizes = [1, 4000], strides = [1, 1]} : vector<16x4000xf32> to vector<1x4000xf32>
    %add3A = arith.addf %slice3A_24, %slice3A_25 : vector<1x4000xf32>
    %slice3A_26 = vector.extract_strided_slice %get3A_1 {offsets = [1, 0], sizes = [1, 4000], strides = [1, 1]} : vector<32x4000xf32> to vector<1x4000xf32>
    %slice3A_27 = vector.extract_strided_slice %dot_general3A_8 {offsets = [1, 0], sizes = [1, 4000], strides = [1, 1]} : vector<16x4000xf32> to vector<1x4000xf32>
    %add3A_28 = arith.addf %slice3A_26, %slice3A_27 : vector<1x4000xf32>
    %slice3A_29 = vector.extract_strided_slice %get3A_1 {offsets = [2, 0], sizes = [1, 4000], strides = [1, 1]} : vector<32x4000xf32> to vector<1x4000xf32>
    %slice3A_30 = vector.extract_strided_slice %dot_general3A_8 {offsets = [2, 0], sizes = [1, 4000], strides = [1, 1]} : vector<16x4000xf32> to vector<1x4000xf32>
    %add3A_31 = arith.addf %slice3A_29, %slice3A_30 : vector<1x4000xf32>
    %slice3A_32 = vector.extract_strided_slice %get3A_1 {offsets = [4, 0], sizes = [1, 4000], strides = [1, 1]} : vector<32x4000xf32> to vector<1x4000xf32>
    %slice3A_33 = vector.extract_strided_slice %dot_general3A_8 {offsets = [4, 0], sizes = [1, 4000], strides = [1, 1]} : vector<16x4000xf32> to vector<1x4000xf32>
    %add3A_34 = arith.addf %slice3A_32, %slice3A_33 : vector<1x4000xf32>
    %slice3A_35 = vector.extract_strided_slice %get3A_1 {offsets = [5, 0], sizes = [1, 4000], strides = [1, 1]} : vector<32x4000xf32> to vector<1x4000xf32>
    %slice3A_36 = vector.extract_strided_slice %dot_general3A_8 {offsets = [5, 0], sizes = [1, 4000], strides = [1, 1]} : vector<16x4000xf32> to vector<1x4000xf32>
    %add3A_37 = arith.addf %slice3A_35, %slice3A_36 : vector<1x4000xf32>
    %slice3A_38 = vector.extract_strided_slice %get3A_1 {offsets = [6, 0], sizes = [1, 4000], strides = [1, 1]} : vector<32x4000xf32> to vector<1x4000xf32>
    %slice3A_39 = vector.extract_strided_slice %dot_general3A_8 {offsets = [6, 0], sizes = [1, 4000], strides = [1, 1]} : vector<16x4000xf32> to vector<1x4000xf32>
    %add3A_40 = arith.addf %slice3A_38, %slice3A_39 : vector<1x4000xf32>
    %slice3A_41 = vector.extract_strided_slice %get3A_1 {offsets = [8, 0], sizes = [1, 4000], strides = [1, 1]} : vector<32x4000xf32> to vector<1x4000xf32>
    %slice3A_42 = vector.extract_strided_slice %dot_general3A_8 {offsets = [8, 0], sizes = [1, 4000], strides = [1, 1]} : vector<16x4000xf32> to vector<1x4000xf32>
    %add3A_43 = arith.addf %slice3A_41, %slice3A_42 : vector<1x4000xf32>
    %slice3A_44 = vector.extract_strided_slice %get3A_1 {offsets = [9, 0], sizes = [1, 4000], strides = [1, 1]} : vector<32x4000xf32> to vector<1x4000xf32>
    %slice3A_45 = vector.extract_strided_slice %dot_general3A_8 {offsets = [9, 0], sizes = [1, 4000], strides = [1, 1]} : vector<16x4000xf32> to vector<1x4000xf32>
    %add3A_46 = arith.addf %slice3A_44, %slice3A_45 : vector<1x4000xf32>
    %slice3A_47 = vector.extract_strided_slice %get3A_1 {offsets = [10, 0], sizes = [1, 4000], strides = [1, 1]} : vector<32x4000xf32> to vector<1x4000xf32>
    %slice3A_48 = vector.extract_strided_slice %dot_general3A_8 {offsets = [10, 0], sizes = [1, 4000], strides = [1, 1]} : vector<16x4000xf32> to vector<1x4000xf32>
    %add3A_49 = arith.addf %slice3A_47, %slice3A_48 : vector<1x4000xf32>
    %mul3A = arith.mulf %add3A_37, %add3A_49 : vector<1x4000xf32>
    %mul3A_50 = arith.mulf %add3A_40, %add3A_46 : vector<1x4000xf32>
    %sub3A_51 = arith.subf %mul3A, %mul3A_50 : vector<1x4000xf32>
    %mul3A_52 = arith.mulf %add3A_31, %add3A_46 : vector<1x4000xf32>
    %mul3A_53 = arith.mulf %add3A_28, %add3A_49 : vector<1x4000xf32>
    %sub3A_54 = arith.subf %mul3A_52, %mul3A_53 : vector<1x4000xf32>
    %mul3A_55 = arith.mulf %add3A_28, %add3A_40 : vector<1x4000xf32>
    %mul3A_56 = arith.mulf %add3A_31, %add3A_37 : vector<1x4000xf32>
    %sub3A_57 = arith.subf %mul3A_55, %mul3A_56 : vector<1x4000xf32>
    %mul3A_58 = arith.mulf %add3A_40, %add3A_43 : vector<1x4000xf32>
    %mul3A_59 = arith.mulf %add3A_34, %add3A_49 : vector<1x4000xf32>
    %sub3A_60 = arith.subf %mul3A_58, %mul3A_59 : vector<1x4000xf32>
    %mul3A_61 = arith.mulf %add3A, %add3A_49 : vector<1x4000xf32>
    %mul3A_62 = arith.mulf %add3A_31, %add3A_43 : vector<1x4000xf32>
    %sub3A_63 = arith.subf %mul3A_61, %mul3A_62 : vector<1x4000xf32>
    %mul3A_64 = arith.mulf %add3A_31, %add3A_34 : vector<1x4000xf32>
    %mul3A_65 = arith.mulf %add3A, %add3A_40 : vector<1x4000xf32>
    %sub3A_66 = arith.subf %mul3A_64, %mul3A_65 : vector<1x4000xf32>
    %mul3A_67 = arith.mulf %add3A_34, %add3A_46 : vector<1x4000xf32>
    %mul3A_68 = arith.mulf %add3A_37, %add3A_43 : vector<1x4000xf32>
    %sub3A_69 = arith.subf %mul3A_67, %mul3A_68 : vector<1x4000xf32>
    %mul3A_70 = arith.mulf %add3A_28, %add3A_43 : vector<1x4000xf32>
    %mul3A_71 = arith.mulf %add3A, %add3A_46 : vector<1x4000xf32>
    %sub3A_72 = arith.subf %mul3A_70, %mul3A_71 : vector<1x4000xf32>
    %mul3A_73 = arith.mulf %add3A, %add3A_37 : vector<1x4000xf32>
    %mul3A_74 = arith.mulf %add3A_28, %add3A_34 : vector<1x4000xf32>
    %sub3A_75 = arith.subf %mul3A_73, %mul3A_74 : vector<1x4000xf32>
    %mul3A_76 = arith.mulf %add3A, %sub3A_51 : vector<1x4000xf32>
    %mul3A_77 = arith.mulf %add3A_28, %sub3A_60 : vector<1x4000xf32>
    %add3A_78 = arith.addf %mul3A_76, %mul3A_77 : vector<1x4000xf32>
    %mul3A_79 = arith.mulf %add3A_31, %sub3A_69 : vector<1x4000xf32>
    %add3A_80 = arith.addf %add3A_78, %mul3A_79 : vector<1x4000xf32>
    %div3A = arith.constant 1.000000e+00 : f32
    %div3A_81 = vector.broadcast %div3A : f32 to vector<1x4000xf32>
    %div3A_82 = arith.divf %div3A_81, %add3A_80 : vector<1x4000xf32>
    %mul3A_83 = arith.mulf %sub3A, %sub3A_51 : vector<1x4000xf32>
    %mul3A_84 = arith.mulf %sub3A_20, %sub3A_60 : vector<1x4000xf32>
    %add3A_85 = arith.addf %mul3A_83, %mul3A_84 : vector<1x4000xf32>
    %mul3A_86 = arith.mulf %sub3A_23, %sub3A_69 : vector<1x4000xf32>
    %add3A_87 = arith.addf %add3A_85, %mul3A_86 : vector<1x4000xf32>
    %mul3A_88 = arith.mulf %add3A_87, %div3A_82 : vector<1x4000xf32>
    %mul3A_89 = arith.mulf %sub3A, %sub3A_54 : vector<1x4000xf32>
    %mul3A_90 = arith.mulf %sub3A_20, %sub3A_63 : vector<1x4000xf32>
    %add3A_91 = arith.addf %mul3A_89, %mul3A_90 : vector<1x4000xf32>
    %mul3A_92 = arith.mulf %sub3A_23, %sub3A_72 : vector<1x4000xf32>
    %add3A_93 = arith.addf %add3A_91, %mul3A_92 : vector<1x4000xf32>
    %mul3A_94 = arith.mulf %add3A_93, %div3A_82 : vector<1x4000xf32>
    %mul3A_95 = arith.mulf %sub3A, %sub3A_57 : vector<1x4000xf32>
    %mul3A_96 = arith.mulf %sub3A_20, %sub3A_66 : vector<1x4000xf32>
    %add3A_97 = arith.addf %mul3A_95, %mul3A_96 : vector<1x4000xf32>
    %mul3A_98 = arith.mulf %sub3A_23, %sub3A_75 : vector<1x4000xf32>
    %add3A_99 = arith.addf %add3A_97, %mul3A_98 : vector<1x4000xf32>
    %mul3A_100 = arith.mulf %add3A_99, %div3A_82 : vector<1x4000xf32>
    %concatenate3A = tpu.concatenate %mul3A_88, %mul3A_94, %mul3A_100, %sub3A, %sub3A_20, %sub3A_23 in 0 : vector<1x4000xf32>, vector<1x4000xf32>, vector<1x4000xf32>, vector<1x4000xf32>, vector<1x4000xf32>, vector<1x4000xf32> -> vector<6x4000xf32>
    %iota3A = tpu.iota {dimensions = array<i32: 0>} : vector<4000x8xi32>
    %jit3A = arith.constant 500 : i32
    %div3A_101 = vector.broadcast %jit3A : i32 to vector<4000x8xi32>
    %div3A_102 = arith.divsi %iota3A, %div3A_101 : vector<4000x8xi32>
    %sign3A = arith.constant 0 : i32
    %sign3A_103 = vector.broadcast %sign3A : i32 to vector<4000x8xi32>
    %sign3A_104 = arith.cmpi sgt, %iota3A, %sign3A_103 : vector<4000x8xi32>
    %sign3A_105 = arith.extui %sign3A_104 : vector<4000x8xi1> to vector<4000x8xi32>
    %sign3A_106 = arith.constant 0 : i32
    %sign3A_107 = vector.broadcast %sign3A_106 : i32 to vector<4000x8xi32>
    %sign3A_108 = arith.cmpi slt, %iota3A, %sign3A_107 : vector<4000x8xi32>
    %sign3A_109 = arith.extui %sign3A_108 : vector<4000x8xi1> to vector<4000x8xi32>
    %sign3A_110 = arith.subi %sign3A_105, %sign3A_109 : vector<4000x8xi32>
    %sign3A_111 = arith.constant 0 : i32
    %sign3A_112 = arith.cmpi sgt, %jit3A, %sign3A_111 : i32
    %sign3A_113 = arith.extui %sign3A_112 : i1 to i32
    %sign3A_114 = arith.constant 0 : i32
    %sign3A_115 = arith.cmpi slt, %jit3A, %sign3A_114 : i32
    %sign3A_116 = arith.extui %sign3A_115 : i1 to i32
    %sign3A_117 = arith.subi %sign3A_113, %sign3A_116 : i32
    %ne3A = vector.broadcast %sign3A_117 : i32 to vector<4000x8xi32>
    %ne3A_118 = arith.cmpi ne, %sign3A_110, %ne3A : vector<4000x8xi32>
    %rem3A = vector.broadcast %jit3A : i32 to vector<4000x8xi32>
    %rem3A_119 = arith.remsi %iota3A, %rem3A : vector<4000x8xi32>
    %ne3A_120 = arith.constant 0 : i32
    %ne3A_121 = vector.broadcast %ne3A_120 : i32 to vector<4000x8xi32>
    %ne3A_122 = arith.cmpi ne, %rem3A_119, %ne3A_121 : vector<4000x8xi32>
    %and3A = arith.andi %ne3A_118, %ne3A_122 : vector<4000x8xi1>
    %sub3A_123 = arith.constant 1 : i32
    %sub3A_124 = vector.broadcast %sub3A_123 : i32 to vector<4000x8xi32>
    %sub3A_125 = arith.subi %div3A_102, %sub3A_124 : vector<4000x8xi32>
    %select_n3A = arith.select %and3A, %sub3A_125, %div3A_102 : vector<4000x8xi1>, vector<4000x8xi32>
    %iota3A_126 = tpu.iota {dimensions = array<i32: 1>} : vector<4000x8xi32>
    %eq3A = arith.cmpi eq, %select_n3A, %iota3A_126 : vector<4000x8xi32>
    %convert_element_type3A = arith.extui %eq3A : vector<4000x8xi1> to vector<4000x8xi32>
    %convert_element_type3A_127 = arith.sitofp %convert_element_type3A : vector<4000x8xi32> to vector<4000x8xf32>
    %dot_general3A_128 = arith.constant dense<0.000000e+00> : vector<6x8xf32>
    %dot_general3A_129 = tpu.matmul %concatenate3A, %convert_element_type3A_127, %dot_general3A_128 {dimension_numbers = #tpu.dot_dimension_numbers<[1], [0], [0], [1], [0, 0, 1, 1], [], []>, transpose_lhs_hint = false} : vector<6x4000xf32>, vector<4000x8xf32>, vector<6x8xf32> -> vector<6x8xf32>
    %slice3A_130 = vector.extract_strided_slice %dot_general3A_129 {offsets = [0, 0], sizes = [3, 8], strides = [1, 1]} : vector<6x8xf32> to vector<3x8xf32>
    %slice3A_131 = vector.extract_strided_slice %dot_general3A_129 {offsets = [3, 0], sizes = [3, 8], strides = [1, 1]} : vector<6x8xf32> to vector<3x8xf32>
    %mul3A_132 = arith.mulf %slice3A_130, %slice3A_131 : vector<3x8xf32>
    %reduce_sum3A = arith.constant dense<0.000000e+00> : vector<3xf32>
    %reduce_sum3A_133 = vector.multi_reduction <add>, %mul3A_132, %reduce_sum3A [1] : vector<3x8xf32> to vector<3xf32>
    %broadcast_in_dim3A = vector.shape_cast %reduce_sum3A_133 : vector<3xf32> to vector<3x1xf32>
    %reduce_sum3A_134 = arith.constant dense<0.000000e+00> : vector<1xf32>
    %reduce_sum3A_135 = vector.multi_reduction <add>, %broadcast_in_dim3A, %reduce_sum3A_134 [0] : vector<3x1xf32> to vector<1xf32>
    %broadcast_in_dim3A_136 = vector.shape_cast %reduce_sum3A_135 : vector<1xf32> to vector<1x1xf32>
    %mul3A_137 = arith.constant 5.000000e-07 : f32
    %mul3A_138 = vector.broadcast %mul3A_137 : f32 to vector<1x1xf32>
    %mul3A_139 = arith.mulf %broadcast_in_dim3A_136, %mul3A_138 : vector<1x1xf32>
    %swap3A = arith.constant 0 : index
    %swap3A_140 = arith.constant 0 : index
    %swap3A_141 = vector.load %arg5[%swap3A, %swap3A_140] : memref<1x1xf32, #tpu.memory_space<vmem>>, vector<1x1xf32>
    tpu.vector_store %arg5[%swap3A, %swap3A_140], %mul3A_139 {strides = array<i32>} : memref<1x1xf32, #tpu.memory_space<vmem>>, vector<1x1xf32>,
    return
  }
}

</mosaic_0001>

<sc_bundles>
// kernel: kernel.5.cloned.1.call-start
scs
__scs_entry_jumppad:
0x0: {  	(pc) =	sbr.rel $0x88, $3  }
0x1: {  	(tag) =	ssettag $0x0;
	lr =	simm.s32 $0x1  }
0x2: {  	[smem:$0x3F9C] =	sst lr;
	_ =	strace $0xD0000000  }
0x3: {  	_ = 	snop  }
0x4: {  	_ = 	snop  }
0x5: {  	_ = 	snop  }
0x6: {  	_ = 	snop  }
0x7: {  	_ = 	snop  }
__scs_overlays_trampoline_lowered:
0x8: {  	[smem:$0x3FAB] =	sst s0  }
0x9: {  	[smem:$0x3FAC] =	sst s1  }
0xa: {  	[smem:$0x3FAD] =	sst s2  }
0xb: {  	[smem:$0x3FAE] =	sst s3  }
0xc: {  	[smem:$0x3FAF] =	sst s4  }
0xd: {  	[smem:$0x3FB0] =	sst s5  }
0xe: {  	[smem:$0x3FB1] =	sst s6  }
0xf: {  	[smem:$0x3FB2] =	sst s7  }
0x10: {  	[smem:$0x3FB3] =	sst s8  }
0x11: {  	[smem:$0x3FB4] =	sst s9;
	s0 =	simm.s32 @!p0 $0x0  }
0x12: {  	s1 =	sld [smem:$0x3F9A];
	s0 =	simm.s32 @p0 $0x1  }
0x13: {  	[smem:$0x3FB5] =	sst s0;
	s0 =	simm.s32 @!p1 $0x0  }
0x14: {  	s2 =	sld [smem:$0x3F99];
	s0 =	simm.s32 @p1 $0x1  }
0x15: {  	[smem:$0x3FB6] =	sst s0;
	s0 =	simm.s32 @!p2 $0x0  }
0x16: {  	s3 =	sld [smem:$0x3FDB];
	s0 =	simm.s32 @p2 $0x1  }
0x17: {  	s4 =	simm.s32 $0x1BF5;
	[smem:$0x3FB8] =	sst s0  }
0x18: {  	s0 =	sld [smem:$0x3F9B];
	_ =	swait.ge [sflag:s4], $0x0  }
0x19: {  	s7 =	sld [smem:$0x3F9C]  }
0x1a: {  	s8 =	sadd.s32 $0xFFFFE003, lr  }
0x1b: {  	s9 =	sadd.s32 $0xFFFFFEF7, lr;
	s5 =	simm.s32 $0xFFFFFFFF;
	p2 =	slt.u32 s8, $0xFFFFF086  }
0x1c: {  	p1 =	slt.u32 s9, $0xF7A;
	s5 =	simm.s32 @!p2 $0x0  }
0x1d: {  	s5 =	simm.s32 @p1 $0x1;
	p0 =	seq.s32 s7, s2  }
0x1e: {  	s7 =	smul.u32 @!p0 $0xF7A, s2;
	p2 =	seq.s32 @!p0 s5, $0x0  }
0x1f: {  	s9 =	smul.u32 $0xF7A, s1;
	s8 =	simm.s32 @!p0 $0x1BF5;
	p2 =	por !p2, p0  }
0x20: {  	[sflag:s8] =	ssyncset.s32 @!p0 $0xFFFFF086;
	s6 =	sadd.s32 @!p0 s3, s7;
	s7 =	simm.s32 @!p0 $0x108  }
0x21: {  	s3 =	sadd.s32 s3, s9;
	s6 =	sadd.s32 @!p0 $0x88, s6;
	s7 =	simm.s32 @p2 $0x1082  }
0x22: {  	[simem:s7], [sflag:s8] =	dma.local @!p0 [hbm:s6], $0xF7A  }
0x23: {  	s9 =	sor.u32 $0xD0000000, s2;
	s6 =	simm.s32 $0x108;
	_ =	swait.ge @!p0 [sflag:s8], $0x0  }
0x24: {  	s3 =	sadd.s32 $0x88, s3;
	s6 =	simm.s32 @!p1 $0x1082;
	[sflag:s4] =	ssyncset.s32 $0xFFFFF086  }
0x25: {  	[simem:s6], [sflag:s4] =	dma.local [hbm:s3], $0xF7A  }
0x26: {  	[smem:$0x3F9C] =	sst s1;
	(tag) =	ssettag s2;
	_ =	strace s9  }
0x27: {  	s1 =	sld [smem:$0x3FAC]  }
0x28: {  	s2 =	sld [smem:$0x3FAD]  }
0x29: {  	s4 =	sld [smem:$0x3FAF]  }
0x2a: {  	p0 =	seq.s32 s5, $0x0;
	s5 =	sld [smem:$0x3FB0]  }
0x2b: {  	s6 =	sld [smem:$0x3FB1]  }
0x2c: {  	s7 =	sld [smem:$0x3FB2]  }
0x2d: {  	s3 =	simm.s32 $0x108;
	s8 =	sld [smem:$0x3FB3]  }
0x2e: {  	s3 =	simm.s32 @!p0 $0x1082;
	s9 =	sld [smem:$0x3FB4]  }
0x2f: {  	lr =	sadd.s32 s0, s3;
	s0 =	sld [smem:$0x3FAB]  }
0x30: {  	s3 =	sld [smem:$0x3FAE]  }
0x31: {  	[smem:$0x3FB7] =	sst s10  }
0x32: {  	s10 =	sld [smem:$0x3FB5];
	_ =	sdelay $0x3  }
0x33: {  	p0 =	seq.s32 s10, $0x1;
	s10 =	sld [smem:$0x3FB7];
	_ =	sdelay $0x3  }
0x34: {  	[smem:$0x3FB7] =	sst s10  }
0x35: {  	s10 =	sld [smem:$0x3FB6];
	_ =	sdelay $0x3  }
0x36: {  	p1 =	seq.s32 s10, $0x1;
	s10 =	sld [smem:$0x3FB7];
	_ =	sdelay $0x3  }
0x37: {  	[smem:$0x3FB7] =	sst s10  }
0x38: {  	s10 =	sld [smem:$0x3FB8]  }
0x39: {  	_ = 	snop;
	(pc) =	sbr.ind lr, $3  }
0x3a: {  	_ = 	snop  }
0x3b: {  	_ = 	snop  }
0x3c: {  	p2 =	seq.s32 s10, $0x1;
	s10 =	sld [smem:$0x3FB7]  }
0x3d: {  	_ =	shalt  }
0x3e: {  	_ =	shalt  }
0x3f: {  	_ =	shalt  }
0x40: {  	_ =	shalt  }
0x41: {  	_ =	shalt  }
0x42: {  	_ =	shalt  }
0x43: {  	_ =	shalt  }
0x44: {  	_ =	shalt  }
0x45: {  	_ =	shalt  }
0x46: {  	_ =	shalt  }
0x47: {  	_ =	shalt  }
0x48: {  	_ =	shalt  }
0x49: {  	_ =	shalt  }
0x4a: {  	_ =	shalt  }
0x4b: {  	_ =	shalt  }
0x4c: {  	_ =	shalt  }
0x4d: {  	_ =	shalt  }
0x4e: {  	_ =	shalt  }
0x4f: {  	_ =	shalt  }
0x50: {  	_ =	shalt  }
0x51: {  	_ =	shalt  }
0x52: {  	_ =	shalt  }
0x53: {  	_ =	shalt  }
0x54: {  	_ =	shalt  }
0x55: {  	_ =	shalt  }
0x56: {  	_ =	shalt  }
0x57: {  	_ =	shalt  }
0x58: {  	_ =	shalt  }
0x59: {  	_ =	shalt  }
0x5a: {  	_ =	shalt  }
0x5b: {  	_ =	shalt  }
0x5c: {  	_ =	shalt  }
0x5d: {  	_ =	shalt  }
0x5e: {  	_ =	shalt  }
0x5f: {  	_ =	shalt  }
0x60: {  	_ =	shalt  }
0x61: {  	_ =	shalt  }
0x62: {  	_ =	shalt  }
0x63: {  	_ =	shalt  }
0x64: {  	_ =	shalt  }
0x65: {  	_ =	shalt  }
0x66: {  	_ =	shalt  }
0x67: {  	_ =	shalt  }
0x68: {  	_ =	shalt  }
0x69: {  	_ =	shalt  }
0x6a: {  	_ =	shalt  }
0x6b: {  	_ =	shalt  }
0x6c: {  	_ =	shalt  }
0x6d: {  	_ =	shalt  }
0x6e: {  	_ =	shalt  }
0x6f: {  	_ =	shalt  }
0x70: {  	_ =	shalt  }
0x71: {  	_ =	shalt  }
0x72: {  	_ =	shalt  }
0x73: {  	_ =	shalt  }
0x74: {  	_ =	shalt  }
0x75: {  	_ =	shalt  }
0x76: {  	_ =	shalt  }
0x77: {  	_ =	shalt  }
0x78: {  	_ =	shalt  }
0x79: {  	_ =	shalt  }
0x7a: {  	_ =	shalt  }
0x7b: {  	_ =	shalt  }
0x7c: {  	_ =	shalt  }
0x7d: {  	_ =	shalt  }
0x7e: {  	_ =	shalt  }
0x7f: {  	_ =	shalt  }
0x80: {  	_ =	shalt  }
0x81: {  	_ =	shalt  }
0x82: {  	_ =	shalt  }
0x83: {  	_ =	shalt  }
0x84: {  	_ =	shalt  }
0x85: {  	_ =	shalt  }
0x86: {  	_ =	shalt  }
0x87: {  	_ =	shalt  }
.Lfunc_end0:
.L_simem_size_0:
called_computation_lowered:
.L_overlay_start_0:
0x88: {  	s2 =	sld [smem:$0x3FD9]  }
0x89: {  	s3 =	sld [smem:$0x3FFE];
	_ =	sdelay $0x1  }
0x8a: {  	s1 =	srdreg.scid  }
0x8b: {  	s0 =	sand.u32 $0x1, s1  }
0x8c: {  	s16 =	sshll.u32 s0, $0xA;
	s2 =	sadd.s32 s3, s2  }
0x8d: {  	s2 =	sadd.s32 s2, s16  }
0x8e: {  	[smem:$0x3FC3] =	sst s2  }
0x8f: {  	_ = 	snop  }
0x90: {  	(tm) =	ssettm $0x1  }
0x91: {  	s17 =	sld [smem:$0x3FFB];
	_ =	sdelay $0x3  }
0x92: {  	_ =	strace s17  }
0x93: {  	s2 =	sld [smem:$0x3FFC];
	_ =	sdelay $0x3  }
0x94: {  	_ =	strace s2  }
0x95: {  	s2 =	sld [smem:$0x3FFD];
	_ =	sdelay $0x3  }
0x96: {  	_ =	strace s2  }
0x97: {  	_ =	strace $0x8FFFFFFF  }
0x98: {  	s18 =	sld [smem:$0x3FDB];
	_ =	sdelay $0x1  }
0x99: {  	s19 =	simm.s32 $_scs_section_size  }
0x9a: {  	s4 =	simm.s32 $_size__tile_overlayer_lowered;
	s5 =	simm.s32 $_tile_overlayer_lowered  }
0x9b: {  	s22 =	simm.s32 $0x1BFF;
	s21 =	sshll.u32 s5, $0x1;
	s2 =	sadd.s32 s19, s18  }
0x9c: {  	s6 =	simm.s32 $0x0;
	s20 =	sshll.u32 s4, $0x1;
	s4 =	sadd.s32 s21, s2  }
0x9d: {  	[timem:s6], [sflag:s22] =	dma.local [hbm:s4], s20  }
0x9e: {  	_ =	swait.ge [sflag:s22], s20  }
0x9f: {  	s3 =	ssub.s32 $0x0, s20;
	[sflag:s22] =	ssyncset.done $0x0  }
0xa0: {  	[sflag:s22] =	ssyncadd.s32 s3;
	_ =	sdelay $0x1  }
0xa1: {  	s23 =	simm.s32 $0x1B8B  }
0xa2: {  	_ =	swait.ge [sflag:s23], $0x1  }
0xa3: {  	[sflag:s23] =	ssyncset.done $0x0  }
0xa4: {  	s25 =	simm.s32 $0x1B8E;
	s24 =	sld [smem:$0x3FFE];
	[sflag:s23] =	ssyncadd.s32 $0xFFFFFFFF  }
0xa5: {  	s26 =	simm.s32 $execute0_lowered;
	[smem:$0x3FD2] =	sst s25  }
0xa6: {  	s4 =	sshll.u32 s26, $0x1;
	_ =	strace $0x80000046;
	[dreg:$0x1] =	wrdreg $0xFFFFFFFF  }
0xa7: {  	s28 =	simm.s32 $_size_execute0_lowered;
	s2 =	sadd.s32 s2, s4;
	[dreg:$0x0] =	wrdreg $0x0  }
0xa8: {  	s4 =	sshll.u32 s28, $0x1;
	[dreg:$0x2] =	wrdreg s2  }
0xa9: {  	[dreg:$0x3] =	wrdreg s4  }
0xaa: {  	[dreg:$0x4] =	wrdreg $0xC0  }
0xab: {  	_ =	task [dreg:s6], $0x5FFFF  }
0xac: {  	[dreg:$0x1] =	wrdreg $0xFFFFFFFF  }
0xad: {  	[dreg:$0x0] =	wrdreg $0x60  }
0xae: {  	[dreg:$0x2] =	wrdreg s24  }
0xaf: {  	[dreg:$0x3] =	wrdreg $0x9  }
0xb0: {  	_ =	task.clear_ibuf [dreg:s6], $0x4FFFF;
	_ =	strace $0x90000046  }
0xb1: {  	s29 =	simm.s32 $0x9;
	_ =	strace $0x80000048  }
0xb2: {  	_ =	swait.ge [sflag:s29], $0x1  }
0xb3: {  	[sflag:s29] =	ssyncadd.s32 $0xFFFFFFFF  }
0xb4: {  	_ =	strace $0x90000048  }
0xb5: {  	_ =	sfence  }
0xb6: {  	s30 =	sld [smem:$0x0];
	_ =	sdelay $0x2  }
0xb7: {  	s31 =	sshll.u32 s1, $0xD;
	s1 =	sshrl.u32 s1, $0x2  }
0xb8: {  	s3 =	sand.u32 $0x4000, s31;
	s1 =	sadd.s32 s1, s30  }
0xb9: {  	s0 =	sor.u32 s3, s0;
	s1 =	sshll.u32 s1, $0x11  }
0xba: {  	s0 =	sor.u32 s1, s0  }
0xbb: {  	s0 =	sadd.s32 $0x8F2B, s0  }
0xbc: {  	[sflag:s0] =	ssyncadd.remote.s32 $0x1  }
0xbd: {  	_ =	sfence.sel $0xFFFF  }
0xbe: {  	[dreg:$0x0] =	wrdreg $0xFFFFFFFF;
	(pc) =	sbr.abs _section_cstart, $3  }
0xbf: {  	[dreg:$0x1] =	wrdreg $0xFFFFFFFF  }
0xc0: {  	_ =	task.clear_ibuf [dreg:s6], $0x2FFFF;
	_ =	strace $0x9FFFFFFF  }
0xc1: {  	(tm) =	ssettm $0x7FFFFFFF  }
tec
execute0_lowered:
.L_overlay_start_1:
0x0: {  	(tag) =	ssettag $0x1  }
0x1: {  	s1 =	srdreg.scid  }
0x2: {  	s0 =	stileid.u32;
	s6 =	sand.u32 $0x1, s1  }
0x3: {  	s8 =	rddreg [dreg:$0x0];
	s30 =	sshll.u32 s0, $0x8;
	s2 =	sshll.u32 s6, $0x7  }
0x4: {  	s7 =	simm.s32 $0x1;
	s1 =	rddreg [dreg:$0x1];
	s9 =	sor.u32 s2, s30  }
0x5: {  	s5 =	sadd.s32 $0xC00, s8;
	s2 =	simm.s32 $0x0;
	s3 =	sshrl.u32 s9, $0x3  }
0x6: {  	s10 =	ssub.s32 $0x2, s6;
	[smem:$0x7FF] =	sst s2;
	s3 =	sadd.s32 s3, s8  }
0x7: {  	_ =	strace $0x80000047;
	s4 =	sadd.s32 $0xA00, s3;
	s3 =	simm.s32 $0x2  }
0x8: {  	[tilespmem:s2], [sflag:$0x2] =	stream.linear.gather [hbm4b:s4+s2], $0x80, $0x38;
	[tilespmem:$0x4080] =	vst v63  }
0x9: {  	s6 =	simm.s32 $0x80;
	s11 =	sshrl.u32 s10, $0x1;
	_ =	swait.ge [sflag:s3], $0x80  }
0xa: {  	s9 =	sshll.u32 s9, $0x4;
	s31 =	ssub.s32 s10, s11;
	[sflag:s3] =	ssyncset.done $0x0  }
0xb: {  	s8 =	sadd.s32 s9, s8;
	s9 =	smax.u32 s31, $0x1;
	[sflag:s3] =	ssyncadd.s32 $0xFFFFFF80  }
0xc: {  	[tilespmem:s6], [sflag:$0x1] =	stream.indirect.gather [hbm4b:s5+s6], $0x80, s2, s6, $0xb8;
	[tilespmem:$0x4080] =	vst v63  }
0xd: {  	p0 =	sne.s32 s9, $0x1;
	_ =	swait.ge [sflag:s7], $0x4000  }
.Ltmp0:
0xe: {  	[sflag:s7] =	ssyncset.done $0x0;
	(pc) =	sbr.rel @!p0 .LBB2_2-.Ltmp0, $4  }
0xf: {  	s8 =	sadd.s32 $0x27E00, s8;
	[sflag:s7] =	ssyncadd.s32 $0xFFFFC000  }
0x10: {  	[hbm4b:s8+s2] =	stream.linear.scatter [tilespmem:s6], [sflag:$0x2], $0x4000, $0x38;
	[tilespmem:$0x4080] =	vst v63  }
0x11: {  	_ =	swait.ge [sflag:s3], $0x4000  }
0x12: {  	s9 =	sadd.s32 $0xFFFFFFFF, s9;
	[sflag:s3] =	ssyncset.done $0x0  }
.LBB2_1:
0x13: {  	p0 =	sne.s32 s9, $0x1;
	s9 =	sadd.s32 $0xFFFFFFFF, s9;
	[sflag:s3] =	ssyncadd.s32 $0xFFFFC000  }
0x14: {  	[tilespmem:s2], [sflag:$0x2] =	stream.linear.gather [hbm4b:s4+s2], $0x80, $0x38;
	[tilespmem:$0x4080] =	vst v63  }
0x15: {  	_ =	swait.ge [sflag:s3], $0x80  }
0x16: {  	[sflag:s3] =	ssyncset.done $0x0  }
0x17: {  	[sflag:s3] =	ssyncadd.s32 $0xFFFFFF80  }
0x18: {  	[tilespmem:s6], [sflag:$0x1] =	stream.indirect.gather [hbm4b:s5+s6], $0x80, s2, s6, $0xb8;
	[tilespmem:$0x4080] =	vst v63  }
0x19: {  	_ =	swait.ge [sflag:s7], $0x4000  }
.Ltmp1:
0x1a: {  	[sflag:s7] =	ssyncset.done $0x0;
	(pc) =	sbr.rel @p0 .LBB2_1-.Ltmp1, $4  }
0x1b: {  	[sflag:s7] =	ssyncadd.s32 $0xFFFFC000  }
0x1c: {  	[hbm4b:s8+s2] =	stream.linear.scatter [tilespmem:s6], [sflag:$0x2], $0x4000, $0x38;
	[tilespmem:$0x4080] =	vst v63  }
0x1d: {  	_ =	swait.ge [sflag:s3], $0x4000  }
0x1e: {  	[sflag:s3] =	ssyncset.done $0x0  }
.LBB2_2:
0x1f: {  	[sflag:s3] =	ssyncadd.s32 $0xFFFFC000  }
0x20: {  	_ =	sfence.sel $0x180000  }
0x21: {  	[bflag:$0x0] =	sbarrier.arrive $0xFFFF  }
0x22: {  	p0 =	sne.s32 s0, $0x0;
	_ =	strace $0x90000047  }
0x23: {  	s0 =	sadd.s32 @!p0 $0x100000, s1;
	[bflag:$0x2] =	sbarrier.arrive $0xFFFF  }
0x24: {  	[sflag:s0] =	ssyncadd.tile.s32 @!p0 $0x1;
	_ =	shalt  }
.Lfunc_end2:
_tile_overlayer_lowered:
.L_overlay_start_2:
0x25: {  	(tag) =	ssettag $0x2  }
0x26: {  	s0 =	rddreg [dreg:$0x0];
	s2 =	stileid.u32  }
0x27: {  	s1 =	rddreg [dreg:$0x1];
	p0 =	sne.s32 s2, $0x0  }
0x28: {  	s3 =	rddreg [dreg:$0x2];
	[bflag:$0x3] =	sbarrier.arrive $0xFFFF;
	s2 =	simm.s32 @!p0 $0x1C02  }
0x29: {  	[timem:s3], [sflag:s2] =	dma.local @!p0 [hbm:s0], s1  }
0x2a: {  	s0 =	simm.s32 @!p0 $0x2  }
0x2b: {  	_ =	swait.ge @!p0 [sflag:s0], s1  }
0x2c: {  	s1 =	ssub.s32 @!p0 $0x0, s1;
	[sflag:s0] =	ssyncset.done @!p0 $0x0  }
0x2d: {  	[sflag:s0] =	ssyncadd.s32 @!p0 s1  }
0x2e: {  	[bflag:$0x3] =	sbarrier.arrive $0xFFFF  }
0x2f: {  	_ =	shalt  }

</sc_bundles>
